<compile_context>
chip_gen: v7x
topology: tpu7x:2x2x1
jax: 0.10.2.dev20260603
libtpu: 0.0.44.dev20260713+nightly
codegen_flags: <defaults>
</compile_context>

<pallas_src>
import jax
import jax.numpy as jnp
from jax import lax
from jax.experimental import pallas as pl
from jax.experimental.pallas import tpu as pltpu
from jax.experimental.pallas import tpu_sc as plsc

BATCH = 16384
EMB = 64
USED_VOCAB = 100000
NC = 2
NS = 16
NW = NC * NS
B_PER_W = BATCH // NW
CHUNK = 128
N_CHUNKS = B_PER_W // CHUNK


def _gather_body(u_tab, i_tab, xu, xi, out, idx_u, idx_i, rows_u, rows_i,
                 sem):
    wid = lax.axis_index("s") * NC + lax.axis_index("c")
    base = wid * B_PER_W
    pltpu.sync_copy(xu.at[pl.ds(wid * N_CHUNKS, N_CHUNKS)], idx_u)
    pltpu.sync_copy(xi.at[pl.ds(wid * N_CHUNKS, N_CHUNKS)], idx_i)
    copies = []
    for j in range(N_CHUNKS):
        copies.append(pltpu.async_copy(
            u_tab.at[idx_u.at[j]], rows_u.at[pl.ds(j * CHUNK, CHUNK)], sem))
        copies.append(pltpu.async_copy(
            i_tab.at[idx_i.at[j]], rows_i.at[pl.ds(j * CHUNK, CHUNK)], sem))
    for c in copies:
        c.wait()
    pltpu.sync_copy(rows_u, out.at[pl.ds(base, B_PER_W), pl.ds(0, EMB)])
    pltpu.sync_copy(rows_i, out.at[pl.ds(base, B_PER_W), pl.ds(EMB, EMB)])


def _bn_relu(h, g, be):
    mu = jnp.mean(h, axis=0, keepdims=True)
    d = h - mu
    var = jnp.mean(d * d, axis=0, keepdims=True)
    return jnp.maximum(d * lax.rsqrt(var + 1e-5) * g + be, 0.0)


def _mlp_body(x_ref, w1_ref, b1_ref, g1_ref, be1_ref,
              w2_ref, b2_ref, g2_ref, be2_ref,
              w3_ref, b3_ref, g3_ref, be3_ref,
              w4_ref, b4_ref, out_ref):
    f32 = jnp.float32
    h = jnp.dot(x_ref[...], w1_ref[...], preferred_element_type=f32) \
        + b1_ref[...]
    h = _bn_relu(h, g1_ref[...], be1_ref[...])
    h = jnp.dot(h, w2_ref[...], preferred_element_type=f32) + b2_ref[...]
    h = _bn_relu(h, g2_ref[...], be2_ref[...])
    h = jnp.dot(h, w3_ref[...], preferred_element_type=f32) + b3_ref[...]
    h = _bn_relu(h, g3_ref[...], be3_ref[...])
    o = jnp.dot(h, w4_ref[...], preferred_element_type=f32) + b4_ref[...]
    out_ref[...] = jax.nn.sigmoid(o) * 10.0


def _sc_gather(xu, xi, u_used, item_table):
    mesh = plsc.VectorSubcoreMesh(core_axis_name="c", subcore_axis_name="s")
    gather = pl.kernel(
        _gather_body,
        mesh=mesh,
        compiler_params=pltpu.CompilerParams(use_tc_tiling_on_sc=False),
        out_type=jax.ShapeDtypeStruct((BATCH, 2 * EMB), jnp.float32),
        scratch_types=[
            pltpu.VMEM((N_CHUNKS, CHUNK), jnp.int32),
            pltpu.VMEM((N_CHUNKS, CHUNK), jnp.int32),
            pltpu.VMEM((B_PER_W, EMB), jnp.float32),
            pltpu.VMEM((B_PER_W, EMB), jnp.float32),
            pltpu.SemaphoreType.DMA,
        ],
    )
    return gather(u_used, item_table, xu, xi)


def kernel(x, user_table, item_table, W1, b1, g1, be1, W2, b2, g2, be2,
           W3, b3, g3, be3, W4, b4):
    xu = x[:, 0].astype(jnp.int32).reshape(NW * N_CHUNKS, CHUNK)
    xi = x[:, 1].astype(jnp.int32).reshape(NW * N_CHUNKS, CHUNK)
    u_used = lax.slice(user_table, (0, 0), (USED_VOCAB, EMB))
    xcat = _sc_gather(xu, xi, u_used, item_table)

    mlp = pl.pallas_call(
        _mlp_body,
        out_shape=jax.ShapeDtypeStruct((BATCH, 1), jnp.float32),
        compiler_params=pltpu.CompilerParams(
            vmem_limit_bytes=100 * 1024 * 1024),
    )
    r = lambda v: v.reshape(1, -1)
    return mlp(xcat, W1.T, r(b1), r(g1), r(be1),
               W2.T, r(b2), r(g2), r(be2),
               W3.T, r(b3), r(g3), r(be3),
               W4.T, r(b4))

# --- scband reference (transcript-rebuilt; emitter-appended) ---
"""Pipeline reference for scband-collab-nn-43954695307678 (READ-ONLY COPY).

The authoritative reference and input builder live on the scoring server;
editing this copy changes nothing except your own understanding.
"""

import jax, jax.numpy as jnp
import numpy as np

USER_VOCAB = 1000000
ITEM_VOCAB = 100000
EMB = 64
BATCH = 16384


def setup_inputs(seed: int = 0) -> dict:
    key = jax.random.key(seed)
    ks = jax.random.split(key, 20)
    x = jax.random.randint(ks[0], (BATCH, 2), 0, ITEM_VOCAB, dtype=jnp.int64) if jax.config.jax_enable_x64 else jax.random.randint(ks[0], (BATCH, 2), 0, ITEM_VOCAB, dtype=jnp.int32)
    user_table = jax.random.normal(ks[1], (USER_VOCAB, EMB), dtype=jnp.float32) * 0.01
    item_table = jax.random.normal(ks[2], (ITEM_VOCAB, EMB), dtype=jnp.float32) * 0.01
    def lin(k, out_d, in_d):
        bound = 1.0 / np.sqrt(in_d)
        kw, kb = jax.random.split(k)
        W = jax.random.uniform(kw, (out_d, in_d), minval=-bound, maxval=bound, dtype=jnp.float32)
        b = jax.random.uniform(kb, (out_d,), minval=-bound, maxval=bound, dtype=jnp.float32)
        return W, b
    W1, b1 = lin(ks[3], 256, 128)
    W2, b2 = lin(ks[4], 128, 256)
    W3, b3 = lin(ks[5], 64, 128)
    W4, b4 = lin(ks[6], 1, 64)
    g1, be1 = jnp.ones((256,), jnp.float32), jnp.zeros((256,), jnp.float32)
    g2, be2 = jnp.ones((128,), jnp.float32), jnp.zeros((128,), jnp.float32)
    g3, be3 = jnp.ones((64,), jnp.float32), jnp.zeros((64,), jnp.float32)
    return {"x": x, "user_table": user_table, "item_table": item_table,
            "W1": W1, "b1": b1, "g1": g1, "be1": be1,
            "W2": W2, "b2": b2, "g2": g2, "be2": be2,
            "W3": W3, "b3": b3, "g3": g3, "be3": be3,
            "W4": W4, "b4": b4}


def _bn(h, g, b, eps=1e-5):
    mu = jnp.mean(h, axis=0)
    var = jnp.var(h, axis=0)
    return (h - mu) / jnp.sqrt(var + eps) * g + b


def reference(x, user_table, item_table, W1, b1, g1, be1, W2, b2, g2, be2, W3, b3, g3, be3, W4, b4):
    u = jnp.take(user_table, x[:, 0], axis=0)
    it = jnp.take(item_table, x[:, 1], axis=0)
    h = jnp.concatenate([u, it], axis=1)
    h = h @ W1.T + b1
    h = jax.nn.relu(_bn(h, g1, be1))
    # Dropout(0.25) is identity in eval mode
    h = h @ W2.T + b2
    h = jax.nn.relu(_bn(h, g2, be2))
    h = h @ W3.T + b3
    h = jax.nn.relu(_bn(h, g3, be3))
    h = h @ W4.T + b4
    lo, hi = 0.0, 10.0
    return jax.nn.sigmoid(h) * (hi - lo) + lo

if __name__ == "__main__":
    import jax
    _d = setup_inputs()
    print(jax.jit(kernel)(*tuple(_d.values())))

</pallas_src>

<mosaic_0001>
#map = affine_map<(d0, d1) -> (0, 0)>
module attributes {stable_mosaic.version = 14 : i64} {
  func.func @_gather_body(%arg0: i32, %arg1: i32, %arg2: memref<100000x64xf32, #tpu.memory_space<hbm>>, %arg3: memref<100000x64xf32, #tpu.memory_space<hbm>>, %arg4: memref<128x128xi32, #tpu.memory_space<hbm>>, %arg5: memref<128x128xi32, #tpu.memory_space<hbm>>, %arg6: memref<16384x128xf32, #tpu.memory_space<hbm>>, %arg7: memref<4x128xi32, #tpu.memory_space<vmem>>, %arg8: memref<4x128xi32, #tpu.memory_space<vmem>>, %arg9: memref<512x64xf32, #tpu.memory_space<vmem>>, %arg10: memref<512x64xf32, #tpu.memory_space<vmem>>, %arg11: memref<!tpu.dma_semaphore, #tpu.memory_space<semaphore_mem>>) attributes {dimension_semantics = [#tpu.dimension_semantics<core_parallel>, #tpu.dimension_semantics<subcore_parallel>], iteration_bounds = array<i64: 2, 16>, scalar_prefetch = 0 : i64, scratch_operands = 5 : i64, tpu.core_type = #tpu.core_type<sc_vector_subcore>, window_params = [{transform_indices = #map}, {transform_indices = #map}, {transform_indices = #map}, {transform_indices = #map}, {transform_indices = #map}]} {
    %mul3A = arith.constant 2 : i32
    %mul3A_0 = arith.muli %arg1, %mul3A : i32
    %add3A = arith.addi %mul3A_0, %arg0 : i32
    %mul3A_1 = arith.constant 512 : i32
    %mul3A_2 = arith.muli %add3A, %mul3A_1 : i32
    %mul3A_3 = arith.constant 4 : i32
    %mul3A_4 = arith.muli %add3A, %mul3A_3 : i32
    "tpu.region"() ({
      %run_scoped3A = tpu.sem_alloc : memref<!tpu.dma_semaphore, #tpu.memory_space<semaphore_mem>>
      %dma_start3A_165 = arith.constant 0 : i32
      %dma_start3A_166 = tpu.memref_slice %arg4[%mul3A_4, %dma_start3A_165] : memref<128x128xi32, #tpu.memory_space<hbm>> -> memref<4x128xi32, #tpu.memory_space<hbm>>
      %dma_start3A_167 = arith.constant 0 : i32
      %dma_start3A_168 = tpu.memref_slice %arg4[%mul3A_4, %dma_start3A_167] : memref<128x128xi32, #tpu.memory_space<hbm>> -> memref<4x128xi32, #tpu.memory_space<hbm>>
      tpu.enqueue_dma source(%dma_start3A_168 : memref<4x128xi32, #tpu.memory_space<hbm>>) target(%arg7 : memref<4x128xi32, #tpu.memory_space<vmem>>) target_semaphore(%run_scoped3A : memref<!tpu.dma_semaphore, #tpu.memory_space<semaphore_mem>>)
      %dma_wait3A_169 = arith.constant 0 : i32
      %dma_wait3A_170 = tpu.memref_slice %arg4[%mul3A_4, %dma_wait3A_169] : memref<128x128xi32, #tpu.memory_space<hbm>> -> memref<4x128xi32, #tpu.memory_space<hbm>>
      %dma_wait3A_171 = arith.constant 0 : i32
      %dma_wait3A_172 = tpu.memref_slice %arg4[%mul3A_4, %dma_wait3A_171] : memref<128x128xi32, #tpu.memory_space<hbm>> -> memref<4x128xi32, #tpu.memory_space<hbm>>
      tpu.wait_dma2 semaphore(%run_scoped3A : memref<!tpu.dma_semaphore, #tpu.memory_space<semaphore_mem>>) src(%dma_wait3A_172 : memref<4x128xi32, #tpu.memory_space<hbm>>) dst(%arg7 : memref<4x128xi32, #tpu.memory_space<vmem>>)
      tpu.yield
    }) : () -> ()
    %mul3A_5 = arith.constant 4 : i32
    %mul3A_6 = arith.muli %add3A, %mul3A_5 : i32
    "tpu.region"() ({
      %run_scoped3A = tpu.sem_alloc : memref<!tpu.dma_semaphore, #tpu.memory_space<semaphore_mem>>
      %dma_start3A_165 = arith.constant 0 : i32
      %dma_start3A_166 = tpu.memref_slice %arg5[%mul3A_6, %dma_start3A_165] : memref<128x128xi32, #tpu.memory_space<hbm>> -> memref<4x128xi32, #tpu.memory_space<hbm>>
      %dma_start3A_167 = arith.constant 0 : i32
      %dma_start3A_168 = tpu.memref_slice %arg5[%mul3A_6, %dma_start3A_167] : memref<128x128xi32, #tpu.memory_space<hbm>> -> memref<4x128xi32, #tpu.memory_space<hbm>>
      tpu.enqueue_dma source(%dma_start3A_168 : memref<4x128xi32, #tpu.memory_space<hbm>>) target(%arg8 : memref<4x128xi32, #tpu.memory_space<vmem>>) target_semaphore(%run_scoped3A : memref<!tpu.dma_semaphore, #tpu.memory_space<semaphore_mem>>)
      %dma_wait3A_169 = arith.constant 0 : i32
      %dma_wait3A_170 = tpu.memref_slice %arg5[%mul3A_6, %dma_wait3A_169] : memref<128x128xi32, #tpu.memory_space<hbm>> -> memref<4x128xi32, #tpu.memory_space<hbm>>
      %dma_wait3A_171 = arith.constant 0 : i32
      %dma_wait3A_172 = tpu.memref_slice %arg5[%mul3A_6, %dma_wait3A_171] : memref<128x128xi32, #tpu.memory_space<hbm>> -> memref<4x128xi32, #tpu.memory_space<hbm>>
      tpu.wait_dma2 semaphore(%run_scoped3A : memref<!tpu.dma_semaphore, #tpu.memory_space<semaphore_mem>>) src(%dma_wait3A_172 : memref<4x128xi32, #tpu.memory_space<hbm>>) dst(%arg8 : memref<4x128xi32, #tpu.memory_space<vmem>>)
      tpu.yield
    }) : () -> ()
    %dma_start3A = arith.constant 0 : i32
    %dma_start3A_7 = arith.constant 0 : i32
    %dma_start3A_8 = arith.constant 0 : i32
    %dma_start3A_9 = tpu.memref_slice %arg9[%dma_start3A_7, %dma_start3A_8] : memref<512x64xf32, #tpu.memory_space<vmem>> -> memref<128x64xf32, #tpu.memory_space<vmem>>
    %dma_start3A_10 = arith.constant 0 : i32
    %dma_start3A_11 = tpu.memref_slice %arg7[%dma_start3A, %dma_start3A_10] : memref<4x128xi32, #tpu.memory_space<vmem>> -> memref<1x128xi32, #tpu.memory_space<vmem>>
    %dma_start3A_12 = tpu.memref_squeeze %dma_start3A_11 : memref<1x128xi32, #tpu.memory_space<vmem>> -> memref<128xi32, #tpu.memory_space<vmem>>
    %dma_start3A_13 = arith.constant 0 : i32
    %dma_start3A_14 = arith.constant 0 : i32
    %dma_start3A_15 = tpu.memref_slice %arg2[%dma_start3A_13, %dma_start3A_14] : memref<100000x64xf32, #tpu.memory_space<hbm>> -> memref<100000x64xf32, #tpu.memory_space<hbm>>
    tpu.enqueue_indirect_dma source(%dma_start3A_15 : memref<100000x64xf32, #tpu.memory_space<hbm>>) target(%dma_start3A_9 : memref<128x64xf32, #tpu.memory_space<vmem>>) offsets(%dma_start3A_12 : memref<128xi32, #tpu.memory_space<vmem>>) semaphore(%arg11 : memref<!tpu.dma_semaphore, #tpu.memory_space<semaphore_mem>>)
    %dma_start3A_16 = arith.constant 0 : i32
    %dma_start3A_17 = arith.constant 0 : i32
    %dma_start3A_18 = arith.constant 0 : i32
    %dma_start3A_19 = tpu.memref_slice %arg10[%dma_start3A_17, %dma_start3A_18] : memref<512x64xf32, #tpu.memory_space<vmem>> -> memref<128x64xf32, #tpu.memory_space<vmem>>
    %dma_start3A_20 = arith.constant 0 : i32
    %dma_start3A_21 = tpu.memref_slice %arg8[%dma_start3A_16, %dma_start3A_20] : memref<4x128xi32, #tpu.memory_space<vmem>> -> memref<1x128xi32, #tpu.memory_space<vmem>>
    %dma_start3A_22 = tpu.memref_squeeze %dma_start3A_21 : memref<1x128xi32, #tpu.memory_space<vmem>> -> memref<128xi32, #tpu.memory_space<vmem>>
    %dma_start3A_23 = arith.constant 0 : i32
    %dma_start3A_24 = arith.constant 0 : i32
    %dma_start3A_25 = tpu.memref_slice %arg3[%dma_start3A_23, %dma_start3A_24] : memref<100000x64xf32, #tpu.memory_space<hbm>> -> memref<100000x64xf32, #tpu.memory_space<hbm>>
    tpu.enqueue_indirect_dma source(%dma_start3A_25 : memref<100000x64xf32, #tpu.memory_space<hbm>>) target(%dma_start3A_19 : memref<128x64xf32, #tpu.memory_space<vmem>>) offsets(%dma_start3A_22 : memref<128xi32, #tpu.memory_space<vmem>>) semaphore(%arg11 : memref<!tpu.dma_semaphore, #tpu.memory_space<semaphore_mem>>)
    %dma_start3A_26 = arith.constant 1 : i32
    %dma_start3A_27 = arith.constant 128 : i32
    %dma_start3A_28 = arith.constant 0 : i32
    %dma_start3A_29 = tpu.memref_slice %arg9[%dma_start3A_27, %dma_start3A_28] : memref<512x64xf32, #tpu.memory_space<vmem>> -> memref<128x64xf32, #tpu.memory_space<vmem>>
    %dma_start3A_30 = arith.constant 0 : i32
    %dma_start3A_31 = tpu.memref_slice %arg7[%dma_start3A_26, %dma_start3A_30] : memref<4x128xi32, #tpu.memory_space<vmem>> -> memref<1x128xi32, #tpu.memory_space<vmem>>
    %dma_start3A_32 = tpu.memref_squeeze %dma_start3A_31 : memref<1x128xi32, #tpu.memory_space<vmem>> -> memref<128xi32, #tpu.memory_space<vmem>>
    %dma_start3A_33 = arith.constant 0 : i32
    %dma_start3A_34 = arith.constant 0 : i32
    %dma_start3A_35 = tpu.memref_slice %arg2[%dma_start3A_33, %dma_start3A_34] : memref<100000x64xf32, #tpu.memory_space<hbm>> -> memref<100000x64xf32, #tpu.memory_space<hbm>>
    tpu.enqueue_indirect_dma source(%dma_start3A_35 : memref<100000x64xf32, #tpu.memory_space<hbm>>) target(%dma_start3A_29 : memref<128x64xf32, #tpu.memory_space<vmem>>) offsets(%dma_start3A_32 : memref<128xi32, #tpu.memory_space<vmem>>) semaphore(%arg11 : memref<!tpu.dma_semaphore, #tpu.memory_space<semaphore_mem>>)
    %dma_start3A_36 = arith.constant 1 : i32
    %dma_start3A_37 = arith.constant 128 : i32
    %dma_start3A_38 = arith.constant 0 : i32
    %dma_start3A_39 = tpu.memref_slice %arg10[%dma_start3A_37, %dma_start3A_38] : memref<512x64xf32, #tpu.memory_space<vmem>> -> memref<128x64xf32, #tpu.memory_space<vmem>>
    %dma_start3A_40 = arith.constant 0 : i32
    %dma_start3A_41 = tpu.memref_slice %arg8[%dma_start3A_36, %dma_start3A_40] : memref<4x128xi32, #tpu.memory_space<vmem>> -> memref<1x128xi32, #tpu.memory_space<vmem>>
    %dma_start3A_42 = tpu.memref_squeeze %dma_start3A_41 : memref<1x128xi32, #tpu.memory_space<vmem>> -> memref<128xi32, #tpu.memory_space<vmem>>
    %dma_start3A_43 = arith.constant 0 : i32
    %dma_start3A_44 = arith.constant 0 : i32
    %dma_start3A_45 = tpu.memref_slice %arg3[%dma_start3A_43, %dma_start3A_44] : memref<100000x64xf32, #tpu.memory_space<hbm>> -> memref<100000x64xf32, #tpu.memory_space<hbm>>
    tpu.enqueue_indirect_dma source(%dma_start3A_45 : memref<100000x64xf32, #tpu.memory_space<hbm>>) target(%dma_start3A_39 : memref<128x64xf32, #tpu.memory_space<vmem>>) offsets(%dma_start3A_42 : memref<128xi32, #tpu.memory_space<vmem>>) semaphore(%arg11 : memref<!tpu.dma_semaphore, #tpu.memory_space<semaphore_mem>>)
    %dma_start3A_46 = arith.constant 2 : i32
    %dma_start3A_47 = arith.constant 256 : i32
    %dma_start3A_48 = arith.constant 0 : i32
    %dma_start3A_49 = tpu.memref_slice %arg9[%dma_start3A_47, %dma_start3A_48] : memref<512x64xf32, #tpu.memory_space<vmem>> -> memref<128x64xf32, #tpu.memory_space<vmem>>
    %dma_start3A_50 = arith.constant 0 : i32
    %dma_start3A_51 = tpu.memref_slice %arg7[%dma_start3A_46, %dma_start3A_50] : memref<4x128xi32, #tpu.memory_space<vmem>> -> memref<1x128xi32, #tpu.memory_space<vmem>>
    %dma_start3A_52 = tpu.memref_squeeze %dma_start3A_51 : memref<1x128xi32, #tpu.memory_space<vmem>> -> memref<128xi32, #tpu.memory_space<vmem>>
    %dma_start3A_53 = arith.constant 0 : i32
    %dma_start3A_54 = arith.constant 0 : i32
    %dma_start3A_55 = tpu.memref_slice %arg2[%dma_start3A_53, %dma_start3A_54] : memref<100000x64xf32, #tpu.memory_space<hbm>> -> memref<100000x64xf32, #tpu.memory_space<hbm>>
    tpu.enqueue_indirect_dma source(%dma_start3A_55 : memref<100000x64xf32, #tpu.memory_space<hbm>>) target(%dma_start3A_49 : memref<128x64xf32, #tpu.memory_space<vmem>>) offsets(%dma_start3A_52 : memref<128xi32, #tpu.memory_space<vmem>>) semaphore(%arg11 : memref<!tpu.dma_semaphore, #tpu.memory_space<semaphore_mem>>)
    %dma_start3A_56 = arith.constant 2 : i32
    %dma_start3A_57 = arith.constant 256 : i32
    %dma_start3A_58 = arith.constant 0 : i32
    %dma_start3A_59 = tpu.memref_slice %arg10[%dma_start3A_57, %dma_start3A_58] : memref<512x64xf32, #tpu.memory_space<vmem>> -> memref<128x64xf32, #tpu.memory_space<vmem>>
    %dma_start3A_60 = arith.constant 0 : i32
    %dma_start3A_61 = tpu.memref_slice %arg8[%dma_start3A_56, %dma_start3A_60] : memref<4x128xi32, #tpu.memory_space<vmem>> -> memref<1x128xi32, #tpu.memory_space<vmem>>
    %dma_start3A_62 = tpu.memref_squeeze %dma_start3A_61 : memref<1x128xi32, #tpu.memory_space<vmem>> -> memref<128xi32, #tpu.memory_space<vmem>>
    %dma_start3A_63 = arith.constant 0 : i32
    %dma_start3A_64 = arith.constant 0 : i32
    %dma_start3A_65 = tpu.memref_slice %arg3[%dma_start3A_63, %dma_start3A_64] : memref<100000x64xf32, #tpu.memory_space<hbm>> -> memref<100000x64xf32, #tpu.memory_space<hbm>>
    tpu.enqueue_indirect_dma source(%dma_start3A_65 : memref<100000x64xf32, #tpu.memory_space<hbm>>) target(%dma_start3A_59 : memref<128x64xf32, #tpu.memory_space<vmem>>) offsets(%dma_start3A_62 : memref<128xi32, #tpu.memory_space<vmem>>) semaphore(%arg11 : memref<!tpu.dma_semaphore, #tpu.memory_space<semaphore_mem>>)
    %dma_start3A_66 = arith.constant 3 : i32
    %dma_start3A_67 = arith.constant 384 : i32
    %dma_start3A_68 = arith.constant 0 : i32
    %dma_start3A_69 = tpu.memref_slice %arg9[%dma_start3A_67, %dma_start3A_68] : memref<512x64xf32, #tpu.memory_space<vmem>> -> memref<128x64xf32, #tpu.memory_space<vmem>>
    %dma_start3A_70 = arith.constant 0 : i32
    %dma_start3A_71 = tpu.memref_slice %arg7[%dma_start3A_66, %dma_start3A_70] : memref<4x128xi32, #tpu.memory_space<vmem>> -> memref<1x128xi32, #tpu.memory_space<vmem>>
    %dma_start3A_72 = tpu.memref_squeeze %dma_start3A_71 : memref<1x128xi32, #tpu.memory_space<vmem>> -> memref<128xi32, #tpu.memory_space<vmem>>
    %dma_start3A_73 = arith.constant 0 : i32
    %dma_start3A_74 = arith.constant 0 : i32
    %dma_start3A_75 = tpu.memref_slice %arg2[%dma_start3A_73, %dma_start3A_74] : memref<100000x64xf32, #tpu.memory_space<hbm>> -> memref<100000x64xf32, #tpu.memory_space<hbm>>
    tpu.enqueue_indirect_dma source(%dma_start3A_75 : memref<100000x64xf32, #tpu.memory_space<hbm>>) target(%dma_start3A_69 : memref<128x64xf32, #tpu.memory_space<vmem>>) offsets(%dma_start3A_72 : memref<128xi32, #tpu.memory_space<vmem>>) semaphore(%arg11 : memref<!tpu.dma_semaphore, #tpu.memory_space<semaphore_mem>>)
    %dma_start3A_76 = arith.constant 3 : i32
    %dma_start3A_77 = arith.constant 384 : i32
    %dma_start3A_78 = arith.constant 0 : i32
    %dma_start3A_79 = tpu.memref_slice %arg10[%dma_start3A_77, %dma_start3A_78] : memref<512x64xf32, #tpu.memory_space<vmem>> -> memref<128x64xf32, #tpu.memory_space<vmem>>
    %dma_start3A_80 = arith.constant 0 : i32
    %dma_start3A_81 = tpu.memref_slice %arg8[%dma_start3A_76, %dma_start3A_80] : memref<4x128xi32, #tpu.memory_space<vmem>> -> memref<1x128xi32, #tpu.memory_space<vmem>>
    %dma_start3A_82 = tpu.memref_squeeze %dma_start3A_81 : memref<1x128xi32, #tpu.memory_space<vmem>> -> memref<128xi32, #tpu.memory_space<vmem>>
    %dma_start3A_83 = arith.constant 0 : i32
    %dma_start3A_84 = arith.constant 0 : i32
    %dma_start3A_85 = tpu.memref_slice %arg3[%dma_start3A_83, %dma_start3A_84] : memref<100000x64xf32, #tpu.memory_space<hbm>> -> memref<100000x64xf32, #tpu.memory_space<hbm>>
    tpu.enqueue_indirect_dma source(%dma_start3A_85 : memref<100000x64xf32, #tpu.memory_space<hbm>>) target(%dma_start3A_79 : memref<128x64xf32, #tpu.memory_space<vmem>>) offsets(%dma_start3A_82 : memref<128xi32, #tpu.memory_space<vmem>>) semaphore(%arg11 : memref<!tpu.dma_semaphore, #tpu.memory_space<semaphore_mem>>)
    %dma_wait3A = arith.constant 0 : i32
    %dma_wait3A_86 = arith.constant 0 : i32
    %dma_wait3A_87 = arith.constant 0 : i32
    %dma_wait3A_88 = tpu.memref_slice %arg9[%dma_wait3A_86, %dma_wait3A_87] : memref<512x64xf32, #tpu.memory_space<vmem>> -> memref<128x64xf32, #tpu.memory_space<vmem>>
    %dma_wait3A_89 = arith.constant 0 : i32
    %dma_wait3A_90 = tpu.memref_slice %arg7[%dma_wait3A, %dma_wait3A_89] : memref<4x128xi32, #tpu.memory_space<vmem>> -> memref<1x128xi32, #tpu.memory_space<vmem>>
    %dma_wait3A_91 = tpu.memref_squeeze %dma_wait3A_90 : memref<1x128xi32, #tpu.memory_space<vmem>> -> memref<128xi32, #tpu.memory_space<vmem>>
    %dma_wait3A_92 = arith.constant 0 : i32
    %dma_wait3A_93 = arith.constant 0 : i32
    %dma_wait3A_94 = tpu.memref_slice %arg2[%dma_wait3A_92, %dma_wait3A_93] : memref<100000x64xf32, #tpu.memory_space<hbm>> -> memref<100000x64xf32, #tpu.memory_space<hbm>>
    tpu.wait_indirect_dma semaphore(%arg11 : memref<!tpu.dma_semaphore, #tpu.memory_space<semaphore_mem>>) src(%dma_wait3A_94 : memref<100000x64xf32, #tpu.memory_space<hbm>>) dst(%dma_wait3A_88 : memref<128x64xf32, #tpu.memory_space<vmem>>)
    %dma_wait3A_95 = arith.constant 0 : i32
    %dma_wait3A_96 = arith.constant 0 : i32
    %dma_wait3A_97 = arith.constant 0 : i32
    %dma_wait3A_98 = tpu.memref_slice %arg10[%dma_wait3A_96, %dma_wait3A_97] : memref<512x64xf32, #tpu.memory_space<vmem>> -> memref<128x64xf32, #tpu.memory_space<vmem>>
    %dma_wait3A_99 = arith.constant 0 : i32
    %dma_wait3A_100 = tpu.memref_slice %arg8[%dma_wait3A_95, %dma_wait3A_99] : memref<4x128xi32, #tpu.memory_space<vmem>> -> memref<1x128xi32, #tpu.memory_space<vmem>>
    %dma_wait3A_101 = tpu.memref_squeeze %dma_wait3A_100 : memref<1x128xi32, #tpu.memory_space<vmem>> -> memref<128xi32, #tpu.memory_space<vmem>>
    %dma_wait3A_102 = arith.constant 0 : i32
    %dma_wait3A_103 = arith.constant 0 : i32
    %dma_wait3A_104 = tpu.memref_slice %arg3[%dma_wait3A_102, %dma_wait3A_103] : memref<100000x64xf32, #tpu.memory_space<hbm>> -> memref<100000x64xf32, #tpu.memory_space<hbm>>
    tpu.wait_indirect_dma semaphore(%arg11 : memref<!tpu.dma_semaphore, #tpu.memory_space<semaphore_mem>>) src(%dma_wait3A_104 : memref<100000x64xf32, #tpu.memory_space<hbm>>) dst(%dma_wait3A_98 : memref<128x64xf32, #tpu.memory_space<vmem>>)
    %dma_wait3A_105 = arith.constant 1 : i32
    %dma_wait3A_106 = arith.constant 128 : i32
    %dma_wait3A_107 = arith.constant 0 : i32
    %dma_wait3A_108 = tpu.memref_slice %arg9[%dma_wait3A_106, %dma_wait3A_107] : memref<512x64xf32, #tpu.memory_space<vmem>> -> memref<128x64xf32, #tpu.memory_space<vmem>>
    %dma_wait3A_109 = arith.constant 0 : i32
    %dma_wait3A_110 = tpu.memref_slice %arg7[%dma_wait3A_105, %dma_wait3A_109] : memref<4x128xi32, #tpu.memory_space<vmem>> -> memref<1x128xi32, #tpu.memory_space<vmem>>
    %dma_wait3A_111 = tpu.memref_squeeze %dma_wait3A_110 : memref<1x128xi32, #tpu.memory_space<vmem>> -> memref<128xi32, #tpu.memory_space<vmem>>
    %dma_wait3A_112 = arith.constant 0 : i32
    %dma_wait3A_113 = arith.constant 0 : i32
    %dma_wait3A_114 = tpu.memref_slice %arg2[%dma_wait3A_112, %dma_wait3A_113] : memref<100000x64xf32, #tpu.memory_space<hbm>> -> memref<100000x64xf32, #tpu.memory_space<hbm>>
    tpu.wait_indirect_dma semaphore(%arg11 : memref<!tpu.dma_semaphore, #tpu.memory_space<semaphore_mem>>) src(%dma_wait3A_114 : memref<100000x64xf32, #tpu.memory_space<hbm>>) dst(%dma_wait3A_108 : memref<128x64xf32, #tpu.memory_space<vmem>>)
    %dma_wait3A_115 = arith.constant 1 : i32
    %dma_wait3A_116 = arith.constant 128 : i32
    %dma_wait3A_117 = arith.constant 0 : i32
    %dma_wait3A_118 = tpu.memref_slice %arg10[%dma_wait3A_116, %dma_wait3A_117] : memref<512x64xf32, #tpu.memory_space<vmem>> -> memref<128x64xf32, #tpu.memory_space<vmem>>
    %dma_wait3A_119 = arith.constant 0 : i32
    %dma_wait3A_120 = tpu.memref_slice %arg8[%dma_wait3A_115, %dma_wait3A_119] : memref<4x128xi32, #tpu.memory_space<vmem>> -> memref<1x128xi32, #tpu.memory_space<vmem>>
    %dma_wait3A_121 = tpu.memref_squeeze %dma_wait3A_120 : memref<1x128xi32, #tpu.memory_space<vmem>> -> memref<128xi32, #tpu.memory_space<vmem>>
    %dma_wait3A_122 = arith.constant 0 : i32
    %dma_wait3A_123 = arith.constant 0 : i32
    %dma_wait3A_124 = tpu.memref_slice %arg3[%dma_wait3A_122, %dma_wait3A_123] : memref<100000x64xf32, #tpu.memory_space<hbm>> -> memref<100000x64xf32, #tpu.memory_space<hbm>>
    tpu.wait_indirect_dma semaphore(%arg11 : memref<!tpu.dma_semaphore, #tpu.memory_space<semaphore_mem>>) src(%dma_wait3A_124 : memref<100000x64xf32, #tpu.memory_space<hbm>>) dst(%dma_wait3A_118 : memref<128x64xf32, #tpu.memory_space<vmem>>)
    %dma_wait3A_125 = arith.constant 2 : i32
    %dma_wait3A_126 = arith.constant 256 : i32
    %dma_wait3A_127 = arith.constant 0 : i32
    %dma_wait3A_128 = tpu.memref_slice %arg9[%dma_wait3A_126, %dma_wait3A_127] : memref<512x64xf32, #tpu.memory_space<vmem>> -> memref<128x64xf32, #tpu.memory_space<vmem>>
    %dma_wait3A_129 = arith.constant 0 : i32
    %dma_wait3A_130 = tpu.memref_slice %arg7[%dma_wait3A_125, %dma_wait3A_129] : memref<4x128xi32, #tpu.memory_space<vmem>> -> memref<1x128xi32, #tpu.memory_space<vmem>>
    %dma_wait3A_131 = tpu.memref_squeeze %dma_wait3A_130 : memref<1x128xi32, #tpu.memory_space<vmem>> -> memref<128xi32, #tpu.memory_space<vmem>>
    %dma_wait3A_132 = arith.constant 0 : i32
    %dma_wait3A_133 = arith.constant 0 : i32
    %dma_wait3A_134 = tpu.memref_slice %arg2[%dma_wait3A_132, %dma_wait3A_133] : memref<100000x64xf32, #tpu.memory_space<hbm>> -> memref<100000x64xf32, #tpu.memory_space<hbm>>
    tpu.wait_indirect_dma semaphore(%arg11 : memref<!tpu.dma_semaphore, #tpu.memory_space<semaphore_mem>>) src(%dma_wait3A_134 : memref<100000x64xf32, #tpu.memory_space<hbm>>) dst(%dma_wait3A_128 : memref<128x64xf32, #tpu.memory_space<vmem>>)
    %dma_wait3A_135 = arith.constant 2 : i32
    %dma_wait3A_136 = arith.constant 256 : i32
    %dma_wait3A_137 = arith.constant 0 : i32
    %dma_wait3A_138 = tpu.memref_slice %arg10[%dma_wait3A_136, %dma_wait3A_137] : memref<512x64xf32, #tpu.memory_space<vmem>> -> memref<128x64xf32, #tpu.memory_space<vmem>>
    %dma_wait3A_139 = arith.constant 0 : i32
    %dma_wait3A_140 = tpu.memref_slice %arg8[%dma_wait3A_135, %dma_wait3A_139] : memref<4x128xi32, #tpu.memory_space<vmem>> -> memref<1x128xi32, #tpu.memory_space<vmem>>
    %dma_wait3A_141 = tpu.memref_squeeze %dma_wait3A_140 : memref<1x128xi32, #tpu.memory_space<vmem>> -> memref<128xi32, #tpu.memory_space<vmem>>
    %dma_wait3A_142 = arith.constant 0 : i32
    %dma_wait3A_143 = arith.constant 0 : i32
    %dma_wait3A_144 = tpu.memref_slice %arg3[%dma_wait3A_142, %dma_wait3A_143] : memref<100000x64xf32, #tpu.memory_space<hbm>> -> memref<100000x64xf32, #tpu.memory_space<hbm>>
    tpu.wait_indirect_dma semaphore(%arg11 : memref<!tpu.dma_semaphore, #tpu.memory_space<semaphore_mem>>) src(%dma_wait3A_144 : memref<100000x64xf32, #tpu.memory_space<hbm>>) dst(%dma_wait3A_138 : memref<128x64xf32, #tpu.memory_space<vmem>>)
    %dma_wait3A_145 = arith.constant 3 : i32
    %dma_wait3A_146 = arith.constant 384 : i32
    %dma_wait3A_147 = arith.constant 0 : i32
    %dma_wait3A_148 = tpu.memref_slice %arg9[%dma_wait3A_146, %dma_wait3A_147] : memref<512x64xf32, #tpu.memory_space<vmem>> -> memref<128x64xf32, #tpu.memory_space<vmem>>
    %dma_wait3A_149 = arith.constant 0 : i32
    %dma_wait3A_150 = tpu.memref_slice %arg7[%dma_wait3A_145, %dma_wait3A_149] : memref<4x128xi32, #tpu.memory_space<vmem>> -> memref<1x128xi32, #tpu.memory_space<vmem>>
    %dma_wait3A_151 = tpu.memref_squeeze %dma_wait3A_150 : memref<1x128xi32, #tpu.memory_space<vmem>> -> memref<128xi32, #tpu.memory_space<vmem>>
    %dma_wait3A_152 = arith.constant 0 : i32
    %dma_wait3A_153 = arith.constant 0 : i32
    %dma_wait3A_154 = tpu.memref_slice %arg2[%dma_wait3A_152, %dma_wait3A_153] : memref<100000x64xf32, #tpu.memory_space<hbm>> -> memref<100000x64xf32, #tpu.memory_space<hbm>>
    tpu.wait_indirect_dma semaphore(%arg11 : memref<!tpu.dma_semaphore, #tpu.memory_space<semaphore_mem>>) src(%dma_wait3A_154 : memref<100000x64xf32, #tpu.memory_space<hbm>>) dst(%dma_wait3A_148 : memref<128x64xf32, #tpu.memory_space<vmem>>)
    %dma_wait3A_155 = arith.constant 3 : i32
    %dma_wait3A_156 = arith.constant 384 : i32
    %dma_wait3A_157 = arith.constant 0 : i32
    %dma_wait3A_158 = tpu.memref_slice %arg10[%dma_wait3A_156, %dma_wait3A_157] : memref<512x64xf32, #tpu.memory_space<vmem>> -> memref<128x64xf32, #tpu.memory_space<vmem>>
    %dma_wait3A_159 = arith.constant 0 : i32
    %dma_wait3A_160 = tpu.memref_slice %arg8[%dma_wait3A_155, %dma_wait3A_159] : memref<4x128xi32, #tpu.memory_space<vmem>> -> memref<1x128xi32, #tpu.memory_space<vmem>>
    %dma_wait3A_161 = tpu.memref_squeeze %dma_wait3A_160 : memref<1x128xi32, #tpu.memory_space<vmem>> -> memref<128xi32, #tpu.memory_space<vmem>>
    %dma_wait3A_162 = arith.constant 0 : i32
    %dma_wait3A_163 = arith.constant 0 : i32
    %dma_wait3A_164 = tpu.memref_slice %arg3[%dma_wait3A_162, %dma_wait3A_163] : memref<100000x64xf32, #tpu.memory_space<hbm>> -> memref<100000x64xf32, #tpu.memory_space<hbm>>
    tpu.wait_indirect_dma semaphore(%arg11 : memref<!tpu.dma_semaphore, #tpu.memory_space<semaphore_mem>>) src(%dma_wait3A_164 : memref<100000x64xf32, #tpu.memory_space<hbm>>) dst(%dma_wait3A_158 : memref<128x64xf32, #tpu.memory_space<vmem>>)
    "tpu.region"() ({
      %run_scoped3A = tpu.sem_alloc : memref<!tpu.dma_semaphore, #tpu.memory_space<semaphore_mem>>
      %dma_start3A_165 = arith.constant 0 : i32
      %dma_start3A_166 = tpu.memref_slice %arg6[%mul3A_2, %dma_start3A_165] : memref<16384x128xf32, #tpu.memory_space<hbm>> -> memref<512x64xf32, #tpu.memory_space<hbm>>
      %dma_start3A_167 = arith.constant 0 : i32
      %dma_start3A_168 = tpu.memref_slice %arg6[%mul3A_2, %dma_start3A_167] : memref<16384x128xf32, #tpu.memory_space<hbm>> -> memref<512x64xf32, #tpu.memory_space<hbm>>
      tpu.enqueue_dma source(%arg9 : memref<512x64xf32, #tpu.memory_space<vmem>>) target(%dma_start3A_168 : memref<512x64xf32, #tpu.memory_space<hbm>>) target_semaphore(%run_scoped3A : memref<!tpu.dma_semaphore, #tpu.memory_space<semaphore_mem>>)
      %dma_wait3A_169 = arith.constant 0 : i32
      %dma_wait3A_170 = tpu.memref_slice %arg6[%mul3A_2, %dma_wait3A_169] : memref<16384x128xf32, #tpu.memory_space<hbm>> -> memref<512x64xf32, #tpu.memory_space<hbm>>
      %dma_wait3A_171 = arith.constant 0 : i32
      %dma_wait3A_172 = tpu.memref_slice %arg6[%mul3A_2, %dma_wait3A_171] : memref<16384x128xf32, #tpu.memory_space<hbm>> -> memref<512x64xf32, #tpu.memory_space<hbm>>
      tpu.wait_dma2 semaphore(%run_scoped3A : memref<!tpu.dma_semaphore, #tpu.memory_space<semaphore_mem>>) src(%arg9 : memref<512x64xf32, #tpu.memory_space<vmem>>) dst(%dma_wait3A_172 : memref<512x64xf32, #tpu.memory_space<hbm>>)
      tpu.yield
    }) : () -> ()
    "tpu.region"() ({
      %run_scoped3A = tpu.sem_alloc : memref<!tpu.dma_semaphore, #tpu.memory_space<semaphore_mem>>
      %dma_start3A_165 = arith.constant 64 : i32
      %dma_start3A_166 = tpu.memref_slice %arg6[%mul3A_2, %dma_start3A_165] : memref<16384x128xf32, #tpu.memory_space<hbm>> -> memref<512x64xf32, #tpu.memory_space<hbm>>
      %dma_start3A_167 = arith.constant 64 : i32
      %dma_start3A_168 = tpu.memref_slice %arg6[%mul3A_2, %dma_start3A_167] : memref<16384x128xf32, #tpu.memory_space<hbm>> -> memref<512x64xf32, #tpu.memory_space<hbm>>
      tpu.enqueue_dma source(%arg10 : memref<512x64xf32, #tpu.memory_space<vmem>>) target(%dma_start3A_168 : memref<512x64xf32, #tpu.memory_space<hbm>>) target_semaphore(%run_scoped3A : memref<!tpu.dma_semaphore, #tpu.memory_space<semaphore_mem>>)
      %dma_wait3A_169 = arith.constant 64 : i32
      %dma_wait3A_170 = tpu.memref_slice %arg6[%mul3A_2, %dma_wait3A_169] : memref<16384x128xf32, #tpu.memory_space<hbm>> -> memref<512x64xf32, #tpu.memory_space<hbm>>
      %dma_wait3A_171 = arith.constant 64 : i32
      %dma_wait3A_172 = tpu.memref_slice %arg6[%mul3A_2, %dma_wait3A_171] : memref<16384x128xf32, #tpu.memory_space<hbm>> -> memref<512x64xf32, #tpu.memory_space<hbm>>
      tpu.wait_dma2 semaphore(%run_scoped3A : memref<!tpu.dma_semaphore, #tpu.memory_space<semaphore_mem>>) src(%arg10 : memref<512x64xf32, #tpu.memory_space<vmem>>) dst(%dma_wait3A_172 : memref<512x64xf32, #tpu.memory_space<hbm>>)
      tpu.yield
    }) : () -> ()
    return
  }
}

module attributes {stable_mosaic.version = 14 : i64} {
  func.func @_mlp_body(%arg0: memref<16384x128xf32, #tpu.memory_space<vmem>>, %arg1: memref<128x256xf32, #tpu.memory_space<vmem>>, %arg2: memref<1x256xf32, #tpu.memory_space<vmem>>, %arg3: memref<1x256xf32, #tpu.memory_space<vmem>>, %arg4: memref<1x256xf32, #tpu.memory_space<vmem>>, %arg5: memref<256x128xf32, #tpu.memory_space<vmem>>, %arg6: memref<1x128xf32, #tpu.memory_space<vmem>>, %arg7: memref<1x128xf32, #tpu.memory_space<vmem>>, %arg8: memref<1x128xf32, #tpu.memory_space<vmem>>, %arg9: memref<128x64xf32, #tpu.memory_space<vmem>>, %arg10: memref<1x64xf32, #tpu.memory_space<vmem>>, %arg11: memref<1x64xf32, #tpu.memory_space<vmem>>, %arg12: memref<1x64xf32, #tpu.memory_space<vmem>>, %arg13: memref<64x1xf32, #tpu.memory_space<vmem>>, %arg14: memref<1x1xf32, #tpu.memory_space<vmem>>, %arg15: memref<16384x1xf32, #tpu.memory_space<vmem>>) attributes {dimension_semantics = [], scalar_prefetch = 0 : i64, scratch_operands = 0 : i64, tpu.core_type = #tpu.core_type<tc>} {
    %get3A = arith.constant 0 : index
    %get3A_0 = arith.constant 0 : index
    %get3A_1 = vector.load %arg0[%get3A, %get3A_0] : memref<16384x128xf32, #tpu.memory_space<vmem>>, vector<16384x128xf32>
    %get3A_2 = arith.constant 0 : index
    %get3A_3 = arith.constant 0 : index
    %get3A_4 = vector.load %arg1[%get3A_2, %get3A_3] : memref<128x256xf32, #tpu.memory_space<vmem>>, vector<128x256xf32>
    %dot_general3A = arith.constant dense<0.000000e+00> : vector<16384x256xf32>
    %dot_general3A_5 = tpu.matmul %get3A_1, %get3A_4, %dot_general3A {dimension_numbers = #tpu.dot_dimension_numbers<[1], [0], [0], [1], [0, 0, 1, 1], [], []>, transpose_lhs_hint = false} : vector<16384x128xf32>, vector<128x256xf32>, vector<16384x256xf32> -> vector<16384x256xf32>
    %get3A_6 = arith.constant 0 : index
    %get3A_7 = arith.constant 0 : index
    %get3A_8 = vector.load %arg2[%get3A_6, %get3A_7] : memref<1x256xf32, #tpu.memory_space<vmem>>, vector<1x256xf32>
    %add3A = vector.broadcast %get3A_8 : vector<1x256xf32> to vector<16384x256xf32>
    %add3A_9 = arith.addf %dot_general3A_5, %add3A : vector<16384x256xf32>
    %get3A_10 = arith.constant 0 : index
    %get3A_11 = arith.constant 0 : index
    %get3A_12 = vector.load %arg3[%get3A_10, %get3A_11] : memref<1x256xf32, #tpu.memory_space<vmem>>, vector<1x256xf32>
    %get3A_13 = arith.constant 0 : index
    %get3A_14 = arith.constant 0 : index
    %get3A_15 = vector.load %arg4[%get3A_13, %get3A_14] : memref<1x256xf32, #tpu.memory_space<vmem>>, vector<1x256xf32>
    %reduce_sum3A = arith.constant dense<0.000000e+00> : vector<256xf32>
    %reduce_sum3A_16 = vector.multi_reduction <add>, %add3A_9, %reduce_sum3A [0] : vector<16384x256xf32> to vector<256xf32>
    %broadcast_in_dim3A = vector.shape_cast %reduce_sum3A_16 : vector<256xf32> to vector<1x256xf32>
    %div3A = arith.constant 1.638400e+04 : f32
    %div3A_17 = vector.broadcast %div3A : f32 to vector<1x256xf32>
    %div3A_18 = arith.divf %broadcast_in_dim3A, %div3A_17 : vector<1x256xf32>
    %sub3A = vector.broadcast %div3A_18 : vector<1x256xf32> to vector<16384x256xf32>
    %sub3A_19 = arith.subf %add3A_9, %sub3A : vector<16384x256xf32>
    %mul3A = arith.mulf %sub3A_19, %sub3A_19 : vector<16384x256xf32>
    %reduce_sum3A_20 = arith.constant dense<0.000000e+00> : vector<256xf32>
    %reduce_sum3A_21 = vector.multi_reduction <add>, %mul3A, %reduce_sum3A_20 [0] : vector<16384x256xf32> to vector<256xf32>
    %broadcast_in_dim3A_22 = vector.shape_cast %reduce_sum3A_21 : vector<256xf32> to vector<1x256xf32>
    %div3A_23 = arith.constant 1.638400e+04 : f32
    %div3A_24 = vector.broadcast %div3A_23 : f32 to vector<1x256xf32>
    %div3A_25 = arith.divf %broadcast_in_dim3A_22, %div3A_24 : vector<1x256xf32>
    %add3A_26 = arith.constant 9.99999974E-6 : f32
    %add3A_27 = vector.broadcast %add3A_26 : f32 to vector<1x256xf32>
    %add3A_28 = arith.addf %div3A_25, %add3A_27 : vector<1x256xf32>
    %rsqrt3A = math.rsqrt %add3A_28 : vector<1x256xf32>
    %mul3A_29 = vector.broadcast %rsqrt3A : vector<1x256xf32> to vector<16384x256xf32>
    %mul3A_30 = arith.mulf %sub3A_19, %mul3A_29 : vector<16384x256xf32>
    %mul3A_31 = vector.broadcast %get3A_12 : vector<1x256xf32> to vector<16384x256xf32>
    %mul3A_32 = arith.mulf %mul3A_30, %mul3A_31 : vector<16384x256xf32>
    %add3A_33 = vector.broadcast %get3A_15 : vector<1x256xf32> to vector<16384x256xf32>
    %add3A_34 = arith.addf %mul3A_32, %add3A_33 : vector<16384x256xf32>
    %max3A = arith.constant 0.000000e+00 : f32
    %max3A_35 = vector.broadcast %max3A : f32 to vector<16384x256xf32>
    %max3A_36 = arith.maximumf %add3A_34, %max3A_35 : vector<16384x256xf32>
    %get3A_37 = arith.constant 0 : index
    %get3A_38 = arith.constant 0 : index
    %get3A_39 = vector.load %arg5[%get3A_37, %get3A_38] : memref<256x128xf32, #tpu.memory_space<vmem>>, vector<256x128xf32>
    %dot_general3A_40 = arith.constant dense<0.000000e+00> : vector<16384x128xf32>
    %dot_general3A_41 = tpu.matmul %max3A_36, %get3A_39, %dot_general3A_40 {dimension_numbers = #tpu.dot_dimension_numbers<[1], [0], [0], [1], [0, 0, 1, 1], [], []>, transpose_lhs_hint = false} : vector<16384x256xf32>, vector<256x128xf32>, vector<16384x128xf32> -> vector<16384x128xf32>
    %get3A_42 = arith.constant 0 : index
    %get3A_43 = arith.constant 0 : index
    %get3A_44 = vector.load %arg6[%get3A_42, %get3A_43] : memref<1x128xf32, #tpu.memory_space<vmem>>, vector<1x128xf32>
    %add3A_45 = vector.broadcast %get3A_44 : vector<1x128xf32> to vector<16384x128xf32>
    %add3A_46 = arith.addf %dot_general3A_41, %add3A_45 : vector<16384x128xf32>
    %get3A_47 = arith.constant 0 : index
    %get3A_48 = arith.constant 0 : index
    %get3A_49 = vector.load %arg7[%get3A_47, %get3A_48] : memref<1x128xf32, #tpu.memory_space<vmem>>, vector<1x128xf32>
    %get3A_50 = arith.constant 0 : index
    %get3A_51 = arith.constant 0 : index
    %get3A_52 = vector.load %arg8[%get3A_50, %get3A_51] : memref<1x128xf32, #tpu.memory_space<vmem>>, vector<1x128xf32>
    %reduce_sum3A_53 = arith.constant dense<0.000000e+00> : vector<128xf32>
    %reduce_sum3A_54 = vector.multi_reduction <add>, %add3A_46, %reduce_sum3A_53 [0] : vector<16384x128xf32> to vector<128xf32>
    %broadcast_in_dim3A_55 = vector.shape_cast %reduce_sum3A_54 : vector<128xf32> to vector<1x128xf32>
    %div3A_56 = arith.constant 1.638400e+04 : f32
    %div3A_57 = vector.broadcast %div3A_56 : f32 to vector<1x128xf32>
    %div3A_58 = arith.divf %broadcast_in_dim3A_55, %div3A_57 : vector<1x128xf32>
    %sub3A_59 = vector.broadcast %div3A_58 : vector<1x128xf32> to vector<16384x128xf32>
    %sub3A_60 = arith.subf %add3A_46, %sub3A_59 : vector<16384x128xf32>
    %mul3A_61 = arith.mulf %sub3A_60, %sub3A_60 : vector<16384x128xf32>
    %reduce_sum3A_62 = arith.constant dense<0.000000e+00> : vector<128xf32>
    %reduce_sum3A_63 = vector.multi_reduction <add>, %mul3A_61, %reduce_sum3A_62 [0] : vector<16384x128xf32> to vector<128xf32>
    %broadcast_in_dim3A_64 = vector.shape_cast %reduce_sum3A_63 : vector<128xf32> to vector<1x128xf32>
    %div3A_65 = arith.constant 1.638400e+04 : f32
    %div3A_66 = vector.broadcast %div3A_65 : f32 to vector<1x128xf32>
    %div3A_67 = arith.divf %broadcast_in_dim3A_64, %div3A_66 : vector<1x128xf32>
    %add3A_68 = arith.constant 9.99999974E-6 : f32
    %add3A_69 = vector.broadcast %add3A_68 : f32 to vector<1x128xf32>
    %add3A_70 = arith.addf %div3A_67, %add3A_69 : vector<1x128xf32>
    %rsqrt3A_71 = math.rsqrt %add3A_70 : vector<1x128xf32>
    %mul3A_72 = vector.broadcast %rsqrt3A_71 : vector<1x128xf32> to vector<16384x128xf32>
    %mul3A_73 = arith.mulf %sub3A_60, %mul3A_72 : vector<16384x128xf32>
    %mul3A_74 = vector.broadcast %get3A_49 : vector<1x128xf32> to vector<16384x128xf32>
    %mul3A_75 = arith.mulf %mul3A_73, %mul3A_74 : vector<16384x128xf32>
    %add3A_76 = vector.broadcast %get3A_52 : vector<1x128xf32> to vector<16384x128xf32>
    %add3A_77 = arith.addf %mul3A_75, %add3A_76 : vector<16384x128xf32>
    %max3A_78 = arith.constant 0.000000e+00 : f32
    %max3A_79 = vector.broadcast %max3A_78 : f32 to vector<16384x128xf32>
    %max3A_80 = arith.maximumf %add3A_77, %max3A_79 : vector<16384x128xf32>
    %get3A_81 = arith.constant 0 : index
    %get3A_82 = arith.constant 0 : index
    %get3A_83 = vector.load %arg9[%get3A_81, %get3A_82] : memref<128x64xf32, #tpu.memory_space<vmem>>, vector<128x64xf32>
    %dot_general3A_84 = arith.constant dense<0.000000e+00> : vector<16384x64xf32>
    %dot_general3A_85 = tpu.matmul %max3A_80, %get3A_83, %dot_general3A_84 {dimension_numbers = #tpu.dot_dimension_numbers<[1], [0], [0], [1], [0, 0, 1, 1], [], []>, transpose_lhs_hint = false} : vector<16384x128xf32>, vector<128x64xf32>, vector<16384x64xf32> -> vector<16384x64xf32>
    %get3A_86 = arith.constant 0 : index
    %get3A_87 = arith.constant 0 : index
    %get3A_88 = vector.load %arg10[%get3A_86, %get3A_87] : memref<1x64xf32, #tpu.memory_space<vmem>>, vector<1x64xf32>
    %add3A_89 = vector.broadcast %get3A_88 : vector<1x64xf32> to vector<16384x64xf32>
    %add3A_90 = arith.addf %dot_general3A_85, %add3A_89 : vector<16384x64xf32>
    %get3A_91 = arith.constant 0 : index
    %get3A_92 = arith.constant 0 : index
    %get3A_93 = vector.load %arg11[%get3A_91, %get3A_92] : memref<1x64xf32, #tpu.memory_space<vmem>>, vector<1x64xf32>
    %get3A_94 = arith.constant 0 : index
    %get3A_95 = arith.constant 0 : index
    %get3A_96 = vector.load %arg12[%get3A_94, %get3A_95] : memref<1x64xf32, #tpu.memory_space<vmem>>, vector<1x64xf32>
    %reduce_sum3A_97 = arith.constant dense<0.000000e+00> : vector<64xf32>
    %reduce_sum3A_98 = vector.multi_reduction <add>, %add3A_90, %reduce_sum3A_97 [0] : vector<16384x64xf32> to vector<64xf32>
    %broadcast_in_dim3A_99 = vector.shape_cast %reduce_sum3A_98 : vector<64xf32> to vector<1x64xf32>
    %div3A_100 = arith.constant 1.638400e+04 : f32
    %div3A_101 = vector.broadcast %div3A_100 : f32 to vector<1x64xf32>
    %div3A_102 = arith.divf %broadcast_in_dim3A_99, %div3A_101 : vector<1x64xf32>
    %sub3A_103 = vector.broadcast %div3A_102 : vector<1x64xf32> to vector<16384x64xf32>
    %sub3A_104 = arith.subf %add3A_90, %sub3A_103 : vector<16384x64xf32>
    %mul3A_105 = arith.mulf %sub3A_104, %sub3A_104 : vector<16384x64xf32>
    %reduce_sum3A_106 = arith.constant dense<0.000000e+00> : vector<64xf32>
    %reduce_sum3A_107 = vector.multi_reduction <add>, %mul3A_105, %reduce_sum3A_106 [0] : vector<16384x64xf32> to vector<64xf32>
    %broadcast_in_dim3A_108 = vector.shape_cast %reduce_sum3A_107 : vector<64xf32> to vector<1x64xf32>
    %div3A_109 = arith.constant 1.638400e+04 : f32
    %div3A_110 = vector.broadcast %div3A_109 : f32 to vector<1x64xf32>
    %div3A_111 = arith.divf %broadcast_in_dim3A_108, %div3A_110 : vector<1x64xf32>
    %add3A_112 = arith.constant 9.99999974E-6 : f32
    %add3A_113 = vector.broadcast %add3A_112 : f32 to vector<1x64xf32>
    %add3A_114 = arith.addf %div3A_111, %add3A_113 : vector<1x64xf32>
    %rsqrt3A_115 = math.rsqrt %add3A_114 : vector<1x64xf32>
    %mul3A_116 = vector.broadcast %rsqrt3A_115 : vector<1x64xf32> to vector<16384x64xf32>
    %mul3A_117 = arith.mulf %sub3A_104, %mul3A_116 : vector<16384x64xf32>
    %mul3A_118 = vector.broadcast %get3A_93 : vector<1x64xf32> to vector<16384x64xf32>
    %mul3A_119 = arith.mulf %mul3A_117, %mul3A_118 : vector<16384x64xf32>
    %add3A_120 = vector.broadcast %get3A_96 : vector<1x64xf32> to vector<16384x64xf32>
    %add3A_121 = arith.addf %mul3A_119, %add3A_120 : vector<16384x64xf32>
    %max3A_122 = arith.constant 0.000000e+00 : f32
    %max3A_123 = vector.broadcast %max3A_122 : f32 to vector<16384x64xf32>
    %max3A_124 = arith.maximumf %add3A_121, %max3A_123 : vector<16384x64xf32>
    %get3A_125 = arith.constant 0 : index
    %get3A_126 = arith.constant 0 : index
    %get3A_127 = vector.load %arg13[%get3A_125, %get3A_126] : memref<64x1xf32, #tpu.memory_space<vmem>>, vector<64x1xf32>
    %dot_general3A_128 = arith.constant dense<0.000000e+00> : vector<16384x1xf32>
    %dot_general3A_129 = tpu.matmul %max3A_124, %get3A_127, %dot_general3A_128 {dimension_numbers = #tpu.dot_dimension_numbers<[1], [0], [0], [1], [0, 0, 1, 1], [], []>, transpose_lhs_hint = false} : vector<16384x64xf32>, vector<64x1xf32>, vector<16384x1xf32> -> vector<16384x1xf32>
    %get3A_130 = arith.constant 0 : index
    %get3A_131 = arith.constant 0 : index
    %get3A_132 = vector.load %arg14[%get3A_130, %get3A_131] : memref<1x1xf32, #tpu.memory_space<vmem>>, vector<1x1xf32>
    %add3A_133 = vector.broadcast %get3A_132 : vector<1x1xf32> to vector<16384x1xf32>
    %add3A_134 = arith.addf %dot_general3A_129, %add3A_133 : vector<16384x1xf32>
    %logistic3A = arith.negf %add3A_134 : vector<16384x1xf32>
    %logistic3A_135 = math.exp %logistic3A : vector<16384x1xf32>
    %logistic3A_136 = arith.constant 1.000000e+00 : f32
    %logistic3A_137 = vector.broadcast %logistic3A_136 : f32 to vector<16384x1xf32>
    %logistic3A_138 = arith.addf %logistic3A_137, %logistic3A_135 : vector<16384x1xf32>
    %logistic3A_139 = arith.divf %logistic3A_137, %logistic3A_138 : vector<16384x1xf32>
    %mul3A_140 = arith.constant 1.000000e+01 : f32
    %mul3A_141 = vector.broadcast %mul3A_140 : f32 to vector<16384x1xf32>
    %mul3A_142 = arith.mulf %logistic3A_139, %mul3A_141 : vector<16384x1xf32>
    %swap3A = arith.constant 0 : index
    %swap3A_143 = arith.constant 0 : index
    %swap3A_144 = vector.load %arg15[%swap3A, %swap3A_143] : memref<16384x1xf32, #tpu.memory_space<vmem>>, vector<16384x1xf32>
    tpu.vector_store %arg15[%swap3A, %swap3A_143], %mul3A_142 {strides = array<i32>} : memref<16384x1xf32, #tpu.memory_space<vmem>>, vector<16384x1xf32>,
    return
  }
}

</mosaic_0001>

<sc_bundles>
// kernel: kernel.4.cloned.1.call-start
scs
__scs_entry_jumppad:
0x0: {  	(pc) =	sbr.rel $0x88, $3  }
0x1: {  	(tag) =	ssettag $0x0;
	lr =	simm.s32 $0x1  }
0x2: {  	[smem:$0x3F90] =	sst lr;
	_ =	strace $0xD0000000  }
0x3: {  	_ = 	snop  }
0x4: {  	_ = 	snop  }
0x5: {  	_ = 	snop  }
0x6: {  	_ = 	snop  }
0x7: {  	_ = 	snop  }
__scs_overlays_trampoline_lowered:
0x8: {  	[smem:$0x3F9F] =	sst s0  }
0x9: {  	[smem:$0x3FA0] =	sst s1  }
0xa: {  	[smem:$0x3FA1] =	sst s2  }
0xb: {  	[smem:$0x3FA2] =	sst s3  }
0xc: {  	[smem:$0x3FA3] =	sst s4  }
0xd: {  	[smem:$0x3FA4] =	sst s5  }
0xe: {  	[smem:$0x3FA5] =	sst s6  }
0xf: {  	[smem:$0x3FA6] =	sst s7  }
0x10: {  	[smem:$0x3FA7] =	sst s8  }
0x11: {  	[smem:$0x3FA8] =	sst s9;
	s0 =	simm.s32 @!p0 $0x0  }
0x12: {  	s1 =	sld [smem:$0x3F8E];
	s0 =	simm.s32 @p0 $0x1  }
0x13: {  	[smem:$0x3FA9] =	sst s0;
	s0 =	simm.s32 @!p1 $0x0  }
0x14: {  	s2 =	sld [smem:$0x3F8D];
	s0 =	simm.s32 @p1 $0x1  }
0x15: {  	[smem:$0x3FAA] =	sst s0;
	s0 =	simm.s32 @!p2 $0x0  }
0x16: {  	s3 =	sld [smem:$0x3FDB];
	s0 =	simm.s32 @p2 $0x1  }
0x17: {  	s4 =	simm.s32 $0x1BF5;
	[smem:$0x3FAC] =	sst s0  }
0x18: {  	s0 =	sld [smem:$0x3F8F];
	_ =	swait.ge [sflag:s4], $0x0  }
0x19: {  	s7 =	sld [smem:$0x3F90]  }
0x1a: {  	s8 =	sadd.s32 $0xFFFFE003, lr  }
0x1b: {  	s9 =	sadd.s32 $0xFFFFFEF7, lr;
	s5 =	simm.s32 $0xFFFFFFFF;
	p2 =	slt.u32 s8, $0xFFFFF086  }
0x1c: {  	p1 =	slt.u32 s9, $0xF7A;
	s5 =	simm.s32 @!p2 $0x0  }
0x1d: {  	s5 =	simm.s32 @p1 $0x1;
	p0 =	seq.s32 s7, s2  }
0x1e: {  	s7 =	smul.u32 @!p0 $0xF7A, s2;
	p2 =	seq.s32 @!p0 s5, $0x0  }
0x1f: {  	s9 =	smul.u32 $0xF7A, s1;
	s8 =	simm.s32 @!p0 $0x1BF5;
	p2 =	por !p2, p0  }
0x20: {  	[sflag:s8] =	ssyncset.s32 @!p0 $0xFFFFF086;
	s6 =	sadd.s32 @!p0 s3, s7;
	s7 =	simm.s32 @!p0 $0x108  }
0x21: {  	s3 =	sadd.s32 s3, s9;
	s6 =	sadd.s32 @!p0 $0x88, s6;
	s7 =	simm.s32 @p2 $0x1082  }
0x22: {  	[simem:s7], [sflag:s8] =	dma.local @!p0 [hbm:s6], $0xF7A  }
0x23: {  	s9 =	sor.u32 $0xD0000000, s2;
	s6 =	simm.s32 $0x108;
	_ =	swait.ge @!p0 [sflag:s8], $0x0  }
0x24: {  	s3 =	sadd.s32 $0x88, s3;
	s6 =	simm.s32 @!p1 $0x1082;
	[sflag:s4] =	ssyncset.s32 $0xFFFFF086  }
0x25: {  	[simem:s6], [sflag:s4] =	dma.local [hbm:s3], $0xF7A  }
0x26: {  	[smem:$0x3F90] =	sst s1;
	(tag) =	ssettag s2;
	_ =	strace s9  }
0x27: {  	s1 =	sld [smem:$0x3FA0]  }
0x28: {  	s2 =	sld [smem:$0x3FA1]  }
0x29: {  	s4 =	sld [smem:$0x3FA3]  }
0x2a: {  	p0 =	seq.s32 s5, $0x0;
	s5 =	sld [smem:$0x3FA4]  }
0x2b: {  	s6 =	sld [smem:$0x3FA5]  }
0x2c: {  	s7 =	sld [smem:$0x3FA6]  }
0x2d: {  	s3 =	simm.s32 $0x108;
	s8 =	sld [smem:$0x3FA7]  }
0x2e: {  	s3 =	simm.s32 @!p0 $0x1082;
	s9 =	sld [smem:$0x3FA8]  }
0x2f: {  	lr =	sadd.s32 s0, s3;
	s0 =	sld [smem:$0x3F9F]  }
0x30: {  	s3 =	sld [smem:$0x3FA2]  }
0x31: {  	[smem:$0x3FAB] =	sst s10  }
0x32: {  	s10 =	sld [smem:$0x3FA9];
	_ =	sdelay $0x3  }
0x33: {  	p0 =	seq.s32 s10, $0x1;
	s10 =	sld [smem:$0x3FAB];
	_ =	sdelay $0x3  }
0x34: {  	[smem:$0x3FAB] =	sst s10  }
0x35: {  	s10 =	sld [smem:$0x3FAA];
	_ =	sdelay $0x3  }
0x36: {  	p1 =	seq.s32 s10, $0x1;
	s10 =	sld [smem:$0x3FAB];
	_ =	sdelay $0x3  }
0x37: {  	[smem:$0x3FAB] =	sst s10  }
0x38: {  	s10 =	sld [smem:$0x3FAC]  }
0x39: {  	_ = 	snop;
	(pc) =	sbr.ind lr, $3  }
0x3a: {  	_ = 	snop  }
0x3b: {  	_ = 	snop  }
0x3c: {  	p2 =	seq.s32 s10, $0x1;
	s10 =	sld [smem:$0x3FAB]  }
0x3d: {  	_ =	shalt  }
0x3e: {  	_ =	shalt  }
0x3f: {  	_ =	shalt  }
0x40: {  	_ =	shalt  }
0x41: {  	_ =	shalt  }
0x42: {  	_ =	shalt  }
0x43: {  	_ =	shalt  }
0x44: {  	_ =	shalt  }
0x45: {  	_ =	shalt  }
0x46: {  	_ =	shalt  }
0x47: {  	_ =	shalt  }
0x48: {  	_ =	shalt  }
0x49: {  	_ =	shalt  }
0x4a: {  	_ =	shalt  }
0x4b: {  	_ =	shalt  }
0x4c: {  	_ =	shalt  }
0x4d: {  	_ =	shalt  }
0x4e: {  	_ =	shalt  }
0x4f: {  	_ =	shalt  }
0x50: {  	_ =	shalt  }
0x51: {  	_ =	shalt  }
0x52: {  	_ =	shalt  }
0x53: {  	_ =	shalt  }
0x54: {  	_ =	shalt  }
0x55: {  	_ =	shalt  }
0x56: {  	_ =	shalt  }
0x57: {  	_ =	shalt  }
0x58: {  	_ =	shalt  }
0x59: {  	_ =	shalt  }
0x5a: {  	_ =	shalt  }
0x5b: {  	_ =	shalt  }
0x5c: {  	_ =	shalt  }
0x5d: {  	_ =	shalt  }
0x5e: {  	_ =	shalt  }
0x5f: {  	_ =	shalt  }
0x60: {  	_ =	shalt  }
0x61: {  	_ =	shalt  }
0x62: {  	_ =	shalt  }
0x63: {  	_ =	shalt  }
0x64: {  	_ =	shalt  }
0x65: {  	_ =	shalt  }
0x66: {  	_ =	shalt  }
0x67: {  	_ =	shalt  }
0x68: {  	_ =	shalt  }
0x69: {  	_ =	shalt  }
0x6a: {  	_ =	shalt  }
0x6b: {  	_ =	shalt  }
0x6c: {  	_ =	shalt  }
0x6d: {  	_ =	shalt  }
0x6e: {  	_ =	shalt  }
0x6f: {  	_ =	shalt  }
0x70: {  	_ =	shalt  }
0x71: {  	_ =	shalt  }
0x72: {  	_ =	shalt  }
0x73: {  	_ =	shalt  }
0x74: {  	_ =	shalt  }
0x75: {  	_ =	shalt  }
0x76: {  	_ =	shalt  }
0x77: {  	_ =	shalt  }
0x78: {  	_ =	shalt  }
0x79: {  	_ =	shalt  }
0x7a: {  	_ =	shalt  }
0x7b: {  	_ =	shalt  }
0x7c: {  	_ =	shalt  }
0x7d: {  	_ =	shalt  }
0x7e: {  	_ =	shalt  }
0x7f: {  	_ =	shalt  }
0x80: {  	_ =	shalt  }
0x81: {  	_ =	shalt  }
0x82: {  	_ =	shalt  }
0x83: {  	_ =	shalt  }
0x84: {  	_ =	shalt  }
0x85: {  	_ =	shalt  }
0x86: {  	_ =	shalt  }
0x87: {  	_ =	shalt  }
.Lfunc_end0:
.L_simem_size_0:
called_computation_lowered:
.L_overlay_start_0:
0x88: {  	s2 =	sld [smem:$0x3FD9]  }
0x89: {  	s3 =	sld [smem:$0x3FFE];
	_ =	sdelay $0x1  }
0x8a: {  	s1 =	srdreg.scid  }
0x8b: {  	s0 =	sand.u32 $0x1, s1  }
0x8c: {  	s17 =	sshll.u32 s0, $0xA;
	s2 =	sadd.s32 s3, s2  }
0x8d: {  	s2 =	sadd.s32 s2, s17  }
0x8e: {  	[smem:$0x3FB7] =	sst s2  }
0x8f: {  	_ = 	snop  }
0x90: {  	s2 =	sld [smem:$0x3FD0];
	(tm) =	ssettm $0x1  }
0x91: {  	s18 =	sld [smem:$0x3FFB];
	_ =	sdelay $0x3  }
0x92: {  	_ =	strace s18  }
0x93: {  	s3 =	sld [smem:$0x3FFC];
	_ =	sdelay $0x3  }
0x94: {  	_ =	strace s3  }
0x95: {  	s3 =	sld [smem:$0x3FFD];
	_ =	sdelay $0x3  }
0x96: {  	_ =	strace s3  }
0x97: {  	_ =	strace $0x8FFFFFFF  }
0x98: {  	s19 =	sld [smem:$0x3FDB];
	_ =	sdelay $0x1  }
0x99: {  	s4 =	simm.s32 $_scs_section_size  }
0x9a: {  	s5 =	simm.s32 $_size__tile_overlayer_lowered;
	s6 =	simm.s32 $_tile_overlayer_lowered  }
0x9b: {  	s22 =	simm.s32 $0x1BFF;
	s21 =	sshll.u32 s6, $0x1;
	s3 =	sadd.s32 s4, s19  }
0x9c: {  	s7 =	simm.s32 $0x0;
	s20 =	sshll.u32 s5, $0x1;
	s5 =	sadd.s32 s21, s3  }
0x9d: {  	[timem:s7], [sflag:s22] =	dma.local [hbm:s5], s20  }
0x9e: {  	_ =	swait.ge [sflag:s22], s20  }
0x9f: {  	s4 =	ssub.s32 $0x0, s20;
	[sflag:s22] =	ssyncset.done $0x0  }
0xa0: {  	[sflag:s22] =	ssyncadd.s32 s4;
	_ =	sdelay $0x1  }
0xa1: {  	s23 =	simm.s32 $0x1B8B  }
0xa2: {  	_ =	swait.ge [sflag:s23], $0x1  }
0xa3: {  	[sflag:s23] =	ssyncset.done $0x0  }
0xa4: {  	s25 =	simm.s32 $0x1B8E;
	s24 =	sld [smem:$0x3FFE];
	[sflag:s23] =	ssyncadd.s32 $0xFFFFFFFF  }
0xa5: {  	s26 =	simm.s32 $execute0_lowered;
	[smem:$0x3FD2] =	sst s25  }
0xa6: {  	s5 =	sshll.u32 s26, $0x1;
	_ =	strace $0x80000046;
	[dreg:$0x1] =	wrdreg $0xFFFFFFFF  }
0xa7: {  	s28 =	simm.s32 $_size_execute0_lowered;
	s3 =	sadd.s32 s3, s5;
	[dreg:$0x0] =	wrdreg $0x0  }
0xa8: {  	s5 =	sshll.u32 s28, $0x1;
	[dreg:$0x2] =	wrdreg s3  }
0xa9: {  	[dreg:$0x3] =	wrdreg s5  }
0xaa: {  	[dreg:$0x4] =	wrdreg $0xC0  }
0xab: {  	_ =	task [dreg:s7], $0x5FFFF  }
0xac: {  	[dreg:$0x1] =	wrdreg $0xFFFFFFFF  }
0xad: {  	[dreg:$0x0] =	wrdreg $0x60  }
0xae: {  	[dreg:$0x2] =	wrdreg s24  }
0xaf: {  	[dreg:$0x3] =	wrdreg s2  }
0xb0: {  	[dreg:$0x4] =	wrdreg $0x9  }
0xb1: {  	_ =	task.clear_ibuf [dreg:s7], $0x5FFFF;
	_ =	strace $0x90000046  }
0xb2: {  	s29 =	simm.s32 $0x9;
	_ =	strace $0x80000048  }
0xb3: {  	_ =	swait.ge [sflag:s29], $0x1  }
0xb4: {  	[sflag:s29] =	ssyncadd.s32 $0xFFFFFFFF  }
0xb5: {  	_ =	strace $0x90000048  }
0xb6: {  	_ =	sfence  }
0xb7: {  	s30 =	sld [smem:$0x0];
	_ =	sdelay $0x2  }
0xb8: {  	s31 =	sshll.u32 s1, $0xD;
	s1 =	sshrl.u32 s1, $0x2  }
0xb9: {  	s3 =	sand.u32 $0x4000, s31;
	s1 =	sadd.s32 s1, s30  }
0xba: {  	s0 =	sor.u32 s3, s0;
	s1 =	sshll.u32 s1, $0x11  }
0xbb: {  	s0 =	sor.u32 s1, s0  }
0xbc: {  	s0 =	sadd.s32 $0x8F2B, s0  }
0xbd: {  	[sflag:s0] =	ssyncadd.remote.s32 $0x1  }
0xbe: {  	_ =	sfence.sel $0xFFFF  }
0xbf: {  	[dreg:$0x0] =	wrdreg $0xFFFFFFFF;
	(pc) =	sbr.abs _section_cstart, $3  }
0xc0: {  	[dreg:$0x1] =	wrdreg $0xFFFFFFFF  }
0xc1: {  	_ =	task.clear_ibuf [dreg:s7], $0x2FFFF;
	_ =	strace $0x9FFFFFFF  }
0xc2: {  	(tm) =	ssettm $0x7FFFFFFF  }
0xc3: {  	_ =	shalt  }
tec
execute0_lowered:
.L_overlay_start_1:
0x0: {  	(tag) =	ssettag $0x1  }
0x1: {  	s1 =	srdreg.scid;
	s0 =	stileid.u32  }
0x2: {  	s24 =	rddreg [dreg:$0x0];
	s25 =	sand.u32 $0x1, s1;
	s31 =	sshll.u32 s0, $0x1  }
0x3: {  	s5 =	rddreg [dreg:$0x1];
	s26 =	sor.u32 s25, s31  }
0x4: {  	s2 =	simm.s32 $0x0;
	s1 =	rddreg [dreg:$0x2];
	s6 =	sshll.u32 s26, $0x6  }
0x5: {  	[smem:$0x7FF] =	sst s2;
	s3 =	sadd.s32 s6, s24  }
0x6: {  	_ =	strace $0x80000047;
	s4 =	sadd.s32 $0x1400, s3;
	s3 =	simm.s32 $0x2  }
0x7: {  	[tilespmem:s2], [sflag:$0x2] =	stream.linear.gather [hbm4b:s4+s2], $0x200, $0x38;
	[tilespmem:$0x10400] =	vst v63  }
0x8: {  	_ =	swait.ge [sflag:s3], $0x200  }
0x9: {  	[sflag:s3] =	ssyncset.done $0x0  }
0xa: {  	s5 =	sadd.s32 s5, s6;
	s6 =	simm.s32 $0x200;
	[sflag:s3] =	ssyncadd.s32 $0xFFFFFE00  }
0xb: {  	[tilespmem:s6], [sflag:$0x2] =	stream.linear.gather [hbm4b:s5+s2], $0x200, $0x38;
	[tilespmem:$0x10400] =	vst v63  }
0xc: {  	_ =	swait.ge [sflag:s3], $0x200  }
0xd: {  	s8 =	simm.s32 $0x80;
	[sflag:s3] =	ssyncset.done $0x0  }
0xe: {  	s9 =	simm.s32 $0x400;
	s7 =	sadd.s32 $0x187E00, s24;
	[sflag:s3] =	ssyncadd.s32 $0xFFFFFE00  }
0xf: {  	[tilespmem:s9], [sflag:$0x1] =	stream.indirect.gather [hbm4b:s7+s8], $0x40, s2, s8, $0xb8;
	[tilespmem:$0x10400] =	vst v63  }
0x10: {  	s11 =	simm.s32 $0x8400;
	s10 =	sadd.s32 $0x24B400, s24  }
0x11: {  	[tilespmem:s11], [sflag:$0x1] =	stream.indirect.gather [hbm4b:s10+s8], $0x40, s6, s8, $0xb8;
	[tilespmem:$0x10400] =	vst v63  }
0x12: {  	s12 =	simm.s32 $0x2400  }
0x13: {  	[tilespmem:s12], [sflag:$0x1] =	stream.indirect.gather [hbm4b:s7+s8], $0x40, s8, s8, $0xb8;
	[tilespmem:$0x10400] =	vst v63  }
0x14: {  	s13 =	simm.s32 $0x280;
	s14 =	simm.s32 $0xA400  }
0x15: {  	[tilespmem:s14], [sflag:$0x1] =	stream.indirect.gather [hbm4b:s10+s8], $0x40, s13, s8, $0xb8;
	[tilespmem:$0x10400] =	vst v63  }
0x16: {  	s15 =	simm.s32 $0x100;
	s16 =	simm.s32 $0x4400  }
0x17: {  	[tilespmem:s16], [sflag:$0x1] =	stream.indirect.gather [hbm4b:s7+s8], $0x40, s15, s8, $0xb8;
	[tilespmem:$0x10400] =	vst v63  }
0x18: {  	s17 =	simm.s32 $0x300;
	s18 =	simm.s32 $0xC400  }
0x19: {  	[tilespmem:s18], [sflag:$0x1] =	stream.indirect.gather [hbm4b:s10+s8], $0x40, s17, s8, $0xb8;
	[tilespmem:$0x10400] =	vst v63  }
0x1a: {  	s19 =	simm.s32 $0x180;
	s20 =	simm.s32 $0x6400  }
0x1b: {  	[tilespmem:s20], [sflag:$0x1] =	stream.indirect.gather [hbm4b:s7+s8], $0x40, s19, s8, $0xb8;
	[tilespmem:$0x10400] =	vst v63  }
0x1c: {  	s21 =	simm.s32 $0x380;
	s22 =	simm.s32 $0xE400;
	s23 =	simm.s32 $0x1  }
0x1d: {  	[tilespmem:s22], [sflag:$0x1] =	stream.indirect.gather [hbm4b:s10+s8], $0x40, s21, s8, $0xb8;
	[tilespmem:$0x10400] =	vst v63  }
0x1e: {  	_ =	swait.ge [sflag:s23], $0x2000  }
0x1f: {  	[sflag:s23] =	ssyncset.done $0x0  }
0x20: {  	[sflag:s23] =	ssyncadd.s32 $0xFFFFE000  }
0x21: {  	_ =	swait.ge [sflag:s23], $0x2000  }
0x22: {  	[sflag:s23] =	ssyncset.done $0x0  }
0x23: {  	[sflag:s23] =	ssyncadd.s32 $0xFFFFE000  }
0x24: {  	_ =	swait.ge [sflag:s23], $0x2000  }
0x25: {  	[sflag:s23] =	ssyncset.done $0x0  }
0x26: {  	[sflag:s23] =	ssyncadd.s32 $0xFFFFE000  }
0x27: {  	_ =	swait.ge [sflag:s23], $0x2000  }
0x28: {  	[sflag:s23] =	ssyncset.done $0x0  }
0x29: {  	[sflag:s23] =	ssyncadd.s32 $0xFFFFE000  }
0x2a: {  	_ =	swait.ge [sflag:s23], $0x2000  }
0x2b: {  	[sflag:s23] =	ssyncset.done $0x0  }
0x2c: {  	[sflag:s23] =	ssyncadd.s32 $0xFFFFE000  }
0x2d: {  	_ =	swait.ge [sflag:s23], $0x2000  }
0x2e: {  	[sflag:s23] =	ssyncset.done $0x0  }
0x2f: {  	[sflag:s23] =	ssyncadd.s32 $0xFFFFE000  }
0x30: {  	_ =	swait.ge [sflag:s23], $0x2000  }
0x31: {  	[sflag:s23] =	ssyncset.done $0x0  }
0x32: {  	s28 =	ssub.s32 $0x2, s25;
	s25 =	simm.s32 $0x40;
	[sflag:s23] =	ssyncadd.s32 $0xFFFFE000  }
0x33: {  	s26 =	sshll.u32 s26, $0xD;
	s29 =	sshrl.u32 s28, $0x1;
	_ =	swait.ge [sflag:s23], $0x2000  }
0x34: {  	s26 =	sadd.s32 s26, s24;
	s28 =	ssub.s32 s28, s29;
	[sflag:s23] =	ssyncset.done $0x0  }
0x35: {  	s24 =	sadd.s32 $0x1C00, s26;
	s28 =	smax.u32 s28, $0x1;
	[sflag:s23] =	ssyncadd.s32 $0xFFFFE000  }
0x36: {  	[hbm4b:s24+s25] =	stream.strided.scatter [tilespmem:s9], [sflag:$0x2], $0x8000, s8, s25, $0x38;
	[tilespmem:$0x10400] =	vst v63  }
0x37: {  	p0 =	sne.s32 s28, $0x1;
	_ =	swait.ge [sflag:s3], $0x8000  }
.Ltmp0:
0x38: {  	[sflag:s3] =	ssyncset.done $0x0;
	(pc) =	sbr.rel @!p0 .LBB2_2-.Ltmp0, $4  }
0x39: {  	s26 =	sadd.s32 $0x1C08, s26;
	[sflag:s3] =	ssyncadd.s32 $0xFFFF8000  }
0x3a: {  	[hbm4b:s26+s25] =	stream.strided.scatter [tilespmem:s11], [sflag:$0x2], $0x8000, s8, s25, $0x38;
	[tilespmem:$0x10400] =	vst v63  }
0x3b: {  	_ =	swait.ge [sflag:s3], $0x8000  }
0x3c: {  	s28 =	sadd.s32 $0xFFFFFFFF, s28;
	[sflag:s3] =	ssyncset.done $0x0  }
.LBB2_1:
0x3d: {  	p0 =	sne.s32 s28, $0x1;
	s28 =	sadd.s32 $0xFFFFFFFF, s28;
	[sflag:s3] =	ssyncadd.s32 $0xFFFF8000  }
0x3e: {  	[tilespmem:s2], [sflag:$0x2] =	stream.linear.gather [hbm4b:s4+s2], $0x200, $0x38;
	[tilespmem:$0x10400] =	vst v63  }
0x3f: {  	_ =	swait.ge [sflag:s3], $0x200  }
0x40: {  	[sflag:s3] =	ssyncset.done $0x0  }
0x41: {  	[sflag:s3] =	ssyncadd.s32 $0xFFFFFE00  }
0x42: {  	[tilespmem:s6], [sflag:$0x2] =	stream.linear.gather [hbm4b:s5+s2], $0x200, $0x38;
	[tilespmem:$0x10400] =	vst v63  }
0x43: {  	_ =	swait.ge [sflag:s3], $0x200  }
0x44: {  	[sflag:s3] =	ssyncset.done $0x0  }
0x45: {  	[sflag:s3] =	ssyncadd.s32 $0xFFFFFE00  }
0x46: {  	[tilespmem:s9], [sflag:$0x1] =	stream.indirect.gather [hbm4b:s7+s8], $0x40, s2, s8, $0xb8;
	[tilespmem:$0x10400] =	vst v63  }
0x47: {  	_ = 	snop  }
0x48: {  	[tilespmem:s11], [sflag:$0x1] =	stream.indirect.gather [hbm4b:s10+s8], $0x40, s6, s8, $0xb8;
	[tilespmem:$0x10400] =	vst v63  }
0x49: {  	_ = 	snop  }
0x4a: {  	[tilespmem:s12], [sflag:$0x1] =	stream.indirect.gather [hbm4b:s7+s8], $0x40, s8, s8, $0xb8;
	[tilespmem:$0x10400] =	vst v63  }
0x4b: {  	_ = 	snop  }
0x4c: {  	[tilespmem:s14], [sflag:$0x1] =	stream.indirect.gather [hbm4b:s10+s8], $0x40, s13, s8, $0xb8;
	[tilespmem:$0x10400] =	vst v63  }
0x4d: {  	_ = 	snop  }
0x4e: {  	[tilespmem:s16], [sflag:$0x1] =	stream.indirect.gather [hbm4b:s7+s8], $0x40, s15, s8, $0xb8;
	[tilespmem:$0x10400] =	vst v63  }
0x4f: {  	_ = 	snop  }
0x50: {  	[tilespmem:s18], [sflag:$0x1] =	stream.indirect.gather [hbm4b:s10+s8], $0x40, s17, s8, $0xb8;
	[tilespmem:$0x10400] =	vst v63  }
0x51: {  	_ = 	snop  }
0x52: {  	[tilespmem:s20], [sflag:$0x1] =	stream.indirect.gather [hbm4b:s7+s8], $0x40, s19, s8, $0xb8;
	[tilespmem:$0x10400] =	vst v63  }
0x53: {  	_ = 	snop  }
0x54: {  	[tilespmem:s22], [sflag:$0x1] =	stream.indirect.gather [hbm4b:s10+s8], $0x40, s21, s8, $0xb8;
	[tilespmem:$0x10400] =	vst v63  }
0x55: {  	_ =	swait.ge [sflag:s23], $0x2000  }
0x56: {  	[sflag:s23] =	ssyncset.done $0x0  }
0x57: {  	[sflag:s23] =	ssyncadd.s32 $0xFFFFE000  }
0x58: {  	_ =	swait.ge [sflag:s23], $0x2000  }
0x59: {  	[sflag:s23] =	ssyncset.done $0x0  }
0x5a: {  	[sflag:s23] =	ssyncadd.s32 $0xFFFFE000  }
0x5b: {  	_ =	swait.ge [sflag:s23], $0x2000  }
0x5c: {  	[sflag:s23] =	ssyncset.done $0x0  }
0x5d: {  	[sflag:s23] =	ssyncadd.s32 $0xFFFFE000  }
0x5e: {  	_ =	swait.ge [sflag:s23], $0x2000  }
0x5f: {  	[sflag:s23] =	ssyncset.done $0x0  }
0x60: {  	[sflag:s23] =	ssyncadd.s32 $0xFFFFE000  }
0x61: {  	_ =	swait.ge [sflag:s23], $0x2000  }
0x62: {  	[sflag:s23] =	ssyncset.done $0x0  }
0x63: {  	[sflag:s23] =	ssyncadd.s32 $0xFFFFE000  }
0x64: {  	_ =	swait.ge [sflag:s23], $0x2000  }
0x65: {  	[sflag:s23] =	ssyncset.done $0x0  }
0x66: {  	[sflag:s23] =	ssyncadd.s32 $0xFFFFE000  }
0x67: {  	_ =	swait.ge [sflag:s23], $0x2000  }
0x68: {  	[sflag:s23] =	ssyncset.done $0x0  }
0x69: {  	[sflag:s23] =	ssyncadd.s32 $0xFFFFE000  }
0x6a: {  	_ =	swait.ge [sflag:s23], $0x2000  }
0x6b: {  	[sflag:s23] =	ssyncset.done $0x0  }
0x6c: {  	[sflag:s23] =	ssyncadd.s32 $0xFFFFE000  }
0x6d: {  	[hbm4b:s24+s25] =	stream.strided.scatter [tilespmem:s9], [sflag:$0x2], $0x8000, s8, s25, $0x38;
	[tilespmem:$0x10400] =	vst v63  }
0x6e: {  	_ =	swait.ge [sflag:s3], $0x8000  }
.Ltmp1:
0x6f: {  	[sflag:s3] =	ssyncset.done $0x0;
	(pc) =	sbr.rel @p0 .LBB2_1-.Ltmp1, $4  }
0x70: {  	[sflag:s3] =	ssyncadd.s32 $0xFFFF8000  }
0x71: {  	[hbm4b:s26+s25] =	stream.strided.scatter [tilespmem:s11], [sflag:$0x2], $0x8000, s8, s25, $0x38;
	[tilespmem:$0x10400] =	vst v63  }
0x72: {  	_ =	swait.ge [sflag:s3], $0x8000  }
0x73: {  	[sflag:s3] =	ssyncset.done $0x0  }
.LBB2_2:
0x74: {  	[sflag:s3] =	ssyncadd.s32 $0xFFFF8000  }
0x75: {  	_ =	sfence.sel $0x180000  }
0x76: {  	[bflag:$0x0] =	sbarrier.arrive $0xFFFF  }
0x77: {  	p0 =	sne.s32 s0, $0x0;
	_ =	strace $0x90000047  }
0x78: {  	s0 =	sadd.s32 @!p0 $0x100000, s1;
	[bflag:$0x2] =	sbarrier.arrive $0xFFFF  }
0x79: {  	[sflag:s0] =	ssyncadd.tile.s32 @!p0 $0x1;
	_ =	shalt  }
.Lfunc_end2:
_tile_overlayer_lowered:
.L_overlay_start_2:
0x7a: {  	(tag) =	ssettag $0x2  }
0x7b: {  	s0 =	rddreg [dreg:$0x0];
	s2 =	stileid.u32  }
0x7c: {  	s1 =	rddreg [dreg:$0x1];
	p0 =	sne.s32 s2, $0x0  }
0x7d: {  	s3 =	rddreg [dreg:$0x2];
	[bflag:$0x3] =	sbarrier.arrive $0xFFFF;
	s2 =	simm.s32 @!p0 $0x1C02  }
0x7e: {  	[timem:s3], [sflag:s2] =	dma.local @!p0 [hbm:s0], s1  }
0x7f: {  	s0 =	simm.s32 @!p0 $0x2  }
0x80: {  	_ =	swait.ge @!p0 [sflag:s0], s1  }
0x81: {  	s1 =	ssub.s32 @!p0 $0x0, s1;
	[sflag:s0] =	ssyncset.done @!p0 $0x0  }
0x82: {  	[sflag:s0] =	ssyncadd.s32 @!p0 s1  }
0x83: {  	[bflag:$0x3] =	sbarrier.arrive $0xFFFF  }
0x84: {  	_ =	shalt  }

</sc_bundles>
